<compile_context>
chip_gen: v7x
topology: tpu7x:2x2x1
jax: 0.10.2.dev20260603
libtpu: 0.0.44.dev20260713+nightly
codegen_flags: <defaults>
</compile_context>

<pallas_src>
import functools

import jax
import jax.numpy as jnp
from jax import lax
from jax.experimental import pallas as pl
from jax.experimental.pallas import tpu as pltpu
from jax.experimental.pallas import tpu_sc as plsc

NC = 2
NS = 16
NW = NC * NS


def _sc_gather(idx2, table3, B, D, b_per_w):
    mesh = plsc.VectorSubcoreMesh(core_axis_name="c", subcore_axis_name="s")

    @functools.partial(
        pl.kernel,
        mesh=mesh,
        out_type=jax.ShapeDtypeStruct((B, 1, D), jnp.float32),
        scratch_types=[
            pltpu.VMEM((b_per_w,), jnp.int32),
            pltpu.VMEM((b_per_w, 1, D), jnp.float32),
            pltpu.SemaphoreType.DMA,
            pltpu.SemaphoreType.DMA,
        ],
    )
    def k(idx_hbm, table_hbm, out_hbm, idx_v, rows_v, gsem, ssem):
        wid = lax.axis_index("s") * NC + lax.axis_index("c")
        base = wid * b_per_w
        pltpu.sync_copy(idx_hbm.at[wid], idx_v)

        def body(g, _):
            v = idx_v[pl.ds(g * 16, 16)]
            for j in range(16):
                r = lax.squeeze(lax.slice_in_dim(v, j, j + 1), (0,))
                pltpu.async_copy(
                    table_hbm.at[pl.ds(r >> 3, 1), pl.ds(r & 7, 1)],
                    rows_v.at[pl.ds(g * 16 + j, 1)],
                    gsem,
                )
            return ()

        lax.fori_loop(0, b_per_w // 16, body, ())
        pltpu.make_async_copy(
            table_hbm.at[pl.ds(0, b_per_w), pl.ds(0, 1)], rows_v, gsem
        ).wait()
        pltpu.async_copy(rows_v, out_hbm.at[pl.ds(base, b_per_w)], ssem).wait()

    return k(idx2, table3)


def kernel(drug_ids, table):
    B, = drug_ids.shape
    V, D = table.shape
    b_per_w = B // NW
    idx2 = drug_ids.astype(jnp.int32).reshape(NW, b_per_w)
    table3 = table.reshape(V // 8, 8, D)
    return _sc_gather(idx2, table3, B, D, b_per_w).reshape(B, D)

# --- scband reference (transcript-rebuilt; emitter-appended) ---
"""Pipeline reference for scband-drug-embedding-25503515804219 (READ-ONLY COPY).

The authoritative reference and input builder live on the scoring server;
editing this copy changes nothing except your own understanding.
"""

import jax, jax.numpy as jnp
import numpy as np

N_DRUGS = 1000000
EMBED_DIM = 64
BATCH = 16384

def setup_inputs(seed: int = 0) -> dict:
    key = jax.random.key(seed)
    k1, k2, k3 = jax.random.split(key, 3)
    drug_ids = jax.random.randint(k1, (BATCH,), 0, N_DRUGS, dtype=jnp.int64 if jax.config.jax_enable_x64 else jnp.int32)
    # xavier_uniform init + small noise, matching torch init
    limit = float(np.sqrt(6.0 / (N_DRUGS + EMBED_DIM)))
    table = jax.random.uniform(k2, (N_DRUGS, EMBED_DIM), minval=-limit, maxval=limit, dtype=jnp.float32)
    table = table + jax.random.normal(k3, (N_DRUGS, EMBED_DIM), dtype=jnp.float32) * 0.01
    return {"drug_ids": drug_ids, "table": table}

def reference(drug_ids, table):
    # Embedding lookup: gather rows of the table
    return jnp.take(table, drug_ids, axis=0)

if __name__ == "__main__":
    import jax
    _d = setup_inputs()
    print(jax.jit(kernel)(*tuple(_d.values())))

</pallas_src>

<mosaic_0001>
#map = affine_map<(d0, d1) -> (0, 0)>
#map1 = affine_map<(d0, d1) -> (0, 0, 0)>
module attributes {stable_mosaic.version = 14 : i64} {
  func.func @k(%arg0: i32, %arg1: i32, %arg2: memref<32x512xi32, #tpu.memory_space<hbm>>, %arg3: memref<125000x8x64xf32, #tpu.memory_space<hbm>>, %arg4: memref<16384x1x64xf32, #tpu.memory_space<hbm>>, %arg5: memref<512xi32, #tpu.memory_space<vmem>>, %arg6: memref<512x1x64xf32, #tpu.memory_space<vmem>>, %arg7: memref<!tpu.dma_semaphore, #tpu.memory_space<semaphore_mem>>, %arg8: memref<!tpu.dma_semaphore, #tpu.memory_space<semaphore_mem>>) attributes {dimension_semantics = [#tpu.dimension_semantics<core_parallel>, #tpu.dimension_semantics<subcore_parallel>], iteration_bounds = array<i64: 2, 16>, scalar_prefetch = 0 : i64, scratch_operands = 4 : i64, tpu.core_type = #tpu.core_type<sc_vector_subcore>, window_params = [{transform_indices = #map}, {transform_indices = #map1}, {transform_indices = #map1}]} {
    %mul3A = arith.constant 2 : i32
    %mul3A_0 = arith.muli %arg1, %mul3A : i32
    %add3A = arith.addi %mul3A_0, %arg0 : i32
    %mul3A_1 = arith.constant 512 : i32
    %mul3A_2 = arith.muli %add3A, %mul3A_1 : i32
    "tpu.region"() ({
      %run_scoped3A = tpu.sem_alloc : memref<!tpu.dma_semaphore, #tpu.memory_space<semaphore_mem>>
      %dma_start3A_25 = arith.constant 0 : i32
      %dma_start3A_26 = tpu.memref_slice %arg2[%add3A, %dma_start3A_25] : memref<32x512xi32, #tpu.memory_space<hbm>> -> memref<1x512xi32, #tpu.memory_space<hbm>>
      %dma_start3A_27 = tpu.memref_squeeze %dma_start3A_26 : memref<1x512xi32, #tpu.memory_space<hbm>> -> memref<512xi32, #tpu.memory_space<hbm>>
      %dma_start3A_28 = arith.constant 0 : i32
      %dma_start3A_29 = tpu.memref_slice %arg2[%add3A, %dma_start3A_28] : memref<32x512xi32, #tpu.memory_space<hbm>> -> memref<1x512xi32, #tpu.memory_space<hbm>>
      %dma_start3A_30 = tpu.memref_squeeze %dma_start3A_29 : memref<1x512xi32, #tpu.memory_space<hbm>> -> memref<512xi32, #tpu.memory_space<hbm>>
      tpu.enqueue_dma source(%dma_start3A_30 : memref<512xi32, #tpu.memory_space<hbm>>) target(%arg5 : memref<512xi32, #tpu.memory_space<vmem>>) target_semaphore(%run_scoped3A : memref<!tpu.dma_semaphore, #tpu.memory_space<semaphore_mem>>)
      %dma_wait3A_31 = arith.constant 0 : i32
      %dma_wait3A_32 = tpu.memref_slice %arg2[%add3A, %dma_wait3A_31] : memref<32x512xi32, #tpu.memory_space<hbm>> -> memref<1x512xi32, #tpu.memory_space<hbm>>
      %dma_wait3A_33 = tpu.memref_squeeze %dma_wait3A_32 : memref<1x512xi32, #tpu.memory_space<hbm>> -> memref<512xi32, #tpu.memory_space<hbm>>
      %dma_wait3A_34 = arith.constant 0 : i32
      %dma_wait3A_35 = tpu.memref_slice %arg2[%add3A, %dma_wait3A_34] : memref<32x512xi32, #tpu.memory_space<hbm>> -> memref<1x512xi32, #tpu.memory_space<hbm>>
      %dma_wait3A_36 = tpu.memref_squeeze %dma_wait3A_35 : memref<1x512xi32, #tpu.memory_space<hbm>> -> memref<512xi32, #tpu.memory_space<hbm>>
      tpu.wait_dma2 semaphore(%run_scoped3A : memref<!tpu.dma_semaphore, #tpu.memory_space<semaphore_mem>>) src(%dma_wait3A_36 : memref<512xi32, #tpu.memory_space<hbm>>) dst(%arg5 : memref<512xi32, #tpu.memory_space<vmem>>)
      tpu.yield
    }) : () -> ()
    %scan3A = arith.constant 0 : i32
    %scan3A_3 = arith.constant 32 : i32
    %scan3A_4 = arith.addi %scan3A, %scan3A_3 : i32
    %scan3A_5 = arith.constant 1 : i32
    scf.for %scan3A_25 = %scan3A to %scan3A_4 step %scan3A_5  : i32 {
      %mul3A_26 = arith.constant 16 : i32
      %mul3A_27 = arith.muli %scan3A_25, %mul3A_26 : i32
      %get3A = arith.index_cast %mul3A_27 : i32 to index
      %get3A_28 = tpu.vector_load %arg5[%get3A] {strides = array<i32>} : memref<512xi32, #tpu.memory_space<vmem>>, vector<16xi32>,
      %get3A_29 = vector.shape_cast %get3A_28 : vector<16xi32> to vector<16xi32>
      %slice3A = vector.extract_strided_slice %get3A_29 {offsets = [0], sizes = [1], strides = [1]} : vector<16xi32> to vector<1xi32>
      %squeeze3A = vector.extract %slice3A[0] : i32 from vector<1xi32>
      %shift_right_arithmetic3A = arith.constant 3 : i32
      %shift_right_arithmetic3A_30 = arith.shrsi %squeeze3A, %shift_right_arithmetic3A : i32
      %and3A = arith.constant 7 : i32
      %and3A_31 = arith.andi %squeeze3A, %and3A : i32
      %mul3A_32 = arith.constant 16 : i32
      %mul3A_33 = arith.muli %scan3A_25, %mul3A_32 : i32
      %add3A_34 = arith.constant 0 : i32
      %add3A_35 = arith.addi %mul3A_33, %add3A_34 : i32
      %dma_start3A_36 = arith.constant 0 : i32
      %dma_start3A_37 = arith.constant 0 : i32
      %dma_start3A_38 = tpu.memref_slice %arg6[%add3A_35, %dma_start3A_36, %dma_start3A_37] : memref<512x1x64xf32, #tpu.memory_space<vmem>> -> memref<1x1x64xf32, #tpu.memory_space<vmem>>
      %dma_start3A_39 = arith.constant 0 : i32
      %dma_start3A_40 = tpu.memref_slice %arg3[%shift_right_arithmetic3A_30, %and3A_31, %dma_start3A_39] : memref<125000x8x64xf32, #tpu.memory_space<hbm>> -> memref<1x1x64xf32, #tpu.memory_space<hbm>>
      %dma_start3A_41 = arith.constant 0 : i32
      %dma_start3A_42 = arith.constant 0 : i32
      %dma_start3A_43 = tpu.memref_slice %arg6[%add3A_35, %dma_start3A_41, %dma_start3A_42] : memref<512x1x64xf32, #tpu.memory_space<vmem>> -> memref<1x1x64xf32, #tpu.memory_space<vmem>>
      %dma_start3A_44 = arith.constant 0 : i32
      %dma_start3A_45 = tpu.memref_slice %arg3[%shift_right_arithmetic3A_30, %and3A_31, %dma_start3A_44] : memref<125000x8x64xf32, #tpu.memory_space<hbm>> -> memref<1x1x64xf32, #tpu.memory_space<hbm>>
      tpu.enqueue_dma source(%dma_start3A_45 : memref<1x1x64xf32, #tpu.memory_space<hbm>>) target(%dma_start3A_43 : memref<1x1x64xf32, #tpu.memory_space<vmem>>) target_semaphore(%arg7 : memref<!tpu.dma_semaphore, #tpu.memory_space<semaphore_mem>>)
      %slice3A_46 = vector.extract_strided_slice %get3A_29 {offsets = [1], sizes = [1], strides = [1]} : vector<16xi32> to vector<1xi32>
      %squeeze3A_47 = vector.extract %slice3A_46[0] : i32 from vector<1xi32>
      %shift_right_arithmetic3A_48 = arith.constant 3 : i32
      %shift_right_arithmetic3A_49 = arith.shrsi %squeeze3A_47, %shift_right_arithmetic3A_48 : i32
      %and3A_50 = arith.constant 7 : i32
      %and3A_51 = arith.andi %squeeze3A_47, %and3A_50 : i32
      %mul3A_52 = arith.constant 16 : i32
      %mul3A_53 = arith.muli %scan3A_25, %mul3A_52 : i32
      %add3A_54 = arith.constant 1 : i32
      %add3A_55 = arith.addi %mul3A_53, %add3A_54 : i32
      %dma_start3A_56 = arith.constant 0 : i32
      %dma_start3A_57 = arith.constant 0 : i32
      %dma_start3A_58 = tpu.memref_slice %arg6[%add3A_55, %dma_start3A_56, %dma_start3A_57] : memref<512x1x64xf32, #tpu.memory_space<vmem>> -> memref<1x1x64xf32, #tpu.memory_space<vmem>>
      %dma_start3A_59 = arith.constant 0 : i32
      %dma_start3A_60 = tpu.memref_slice %arg3[%shift_right_arithmetic3A_49, %and3A_51, %dma_start3A_59] : memref<125000x8x64xf32, #tpu.memory_space<hbm>> -> memref<1x1x64xf32, #tpu.memory_space<hbm>>
      %dma_start3A_61 = arith.constant 0 : i32
      %dma_start3A_62 = arith.constant 0 : i32
      %dma_start3A_63 = tpu.memref_slice %arg6[%add3A_55, %dma_start3A_61, %dma_start3A_62] : memref<512x1x64xf32, #tpu.memory_space<vmem>> -> memref<1x1x64xf32, #tpu.memory_space<vmem>>
      %dma_start3A_64 = arith.constant 0 : i32
      %dma_start3A_65 = tpu.memref_slice %arg3[%shift_right_arithmetic3A_49, %and3A_51, %dma_start3A_64] : memref<125000x8x64xf32, #tpu.memory_space<hbm>> -> memref<1x1x64xf32, #tpu.memory_space<hbm>>
      tpu.enqueue_dma source(%dma_start3A_65 : memref<1x1x64xf32, #tpu.memory_space<hbm>>) target(%dma_start3A_63 : memref<1x1x64xf32, #tpu.memory_space<vmem>>) target_semaphore(%arg7 : memref<!tpu.dma_semaphore, #tpu.memory_space<semaphore_mem>>)
      %slice3A_66 = vector.extract_strided_slice %get3A_29 {offsets = [2], sizes = [1], strides = [1]} : vector<16xi32> to vector<1xi32>
      %squeeze3A_67 = vector.extract %slice3A_66[0] : i32 from vector<1xi32>
      %shift_right_arithmetic3A_68 = arith.constant 3 : i32
      %shift_right_arithmetic3A_69 = arith.shrsi %squeeze3A_67, %shift_right_arithmetic3A_68 : i32
      %and3A_70 = arith.constant 7 : i32
      %and3A_71 = arith.andi %squeeze3A_67, %and3A_70 : i32
      %mul3A_72 = arith.constant 16 : i32
      %mul3A_73 = arith.muli %scan3A_25, %mul3A_72 : i32
      %add3A_74 = arith.constant 2 : i32
      %add3A_75 = arith.addi %mul3A_73, %add3A_74 : i32
      %dma_start3A_76 = arith.constant 0 : i32
      %dma_start3A_77 = arith.constant 0 : i32
      %dma_start3A_78 = tpu.memref_slice %arg6[%add3A_75, %dma_start3A_76, %dma_start3A_77] : memref<512x1x64xf32, #tpu.memory_space<vmem>> -> memref<1x1x64xf32, #tpu.memory_space<vmem>>
      %dma_start3A_79 = arith.constant 0 : i32
      %dma_start3A_80 = tpu.memref_slice %arg3[%shift_right_arithmetic3A_69, %and3A_71, %dma_start3A_79] : memref<125000x8x64xf32, #tpu.memory_space<hbm>> -> memref<1x1x64xf32, #tpu.memory_space<hbm>>
      %dma_start3A_81 = arith.constant 0 : i32
      %dma_start3A_82 = arith.constant 0 : i32
      %dma_start3A_83 = tpu.memref_slice %arg6[%add3A_75, %dma_start3A_81, %dma_start3A_82] : memref<512x1x64xf32, #tpu.memory_space<vmem>> -> memref<1x1x64xf32, #tpu.memory_space<vmem>>
      %dma_start3A_84 = arith.constant 0 : i32
      %dma_start3A_85 = tpu.memref_slice %arg3[%shift_right_arithmetic3A_69, %and3A_71, %dma_start3A_84] : memref<125000x8x64xf32, #tpu.memory_space<hbm>> -> memref<1x1x64xf32, #tpu.memory_space<hbm>>
      tpu.enqueue_dma source(%dma_start3A_85 : memref<1x1x64xf32, #tpu.memory_space<hbm>>) target(%dma_start3A_83 : memref<1x1x64xf32, #tpu.memory_space<vmem>>) target_semaphore(%arg7 : memref<!tpu.dma_semaphore, #tpu.memory_space<semaphore_mem>>)
      %slice3A_86 = vector.extract_strided_slice %get3A_29 {offsets = [3], sizes = [1], strides = [1]} : vector<16xi32> to vector<1xi32>
      %squeeze3A_87 = vector.extract %slice3A_86[0] : i32 from vector<1xi32>
      %shift_right_arithmetic3A_88 = arith.constant 3 : i32
      %shift_right_arithmetic3A_89 = arith.shrsi %squeeze3A_87, %shift_right_arithmetic3A_88 : i32
      %and3A_90 = arith.constant 7 : i32
      %and3A_91 = arith.andi %squeeze3A_87, %and3A_90 : i32
      %mul3A_92 = arith.constant 16 : i32
      %mul3A_93 = arith.muli %scan3A_25, %mul3A_92 : i32
      %add3A_94 = arith.constant 3 : i32
      %add3A_95 = arith.addi %mul3A_93, %add3A_94 : i32
      %dma_start3A_96 = arith.constant 0 : i32
      %dma_start3A_97 = arith.constant 0 : i32
      %dma_start3A_98 = tpu.memref_slice %arg6[%add3A_95, %dma_start3A_96, %dma_start3A_97] : memref<512x1x64xf32, #tpu.memory_space<vmem>> -> memref<1x1x64xf32, #tpu.memory_space<vmem>>
      %dma_start3A_99 = arith.constant 0 : i32
      %dma_start3A_100 = tpu.memref_slice %arg3[%shift_right_arithmetic3A_89, %and3A_91, %dma_start3A_99] : memref<125000x8x64xf32, #tpu.memory_space<hbm>> -> memref<1x1x64xf32, #tpu.memory_space<hbm>>
      %dma_start3A_101 = arith.constant 0 : i32
      %dma_start3A_102 = arith.constant 0 : i32
      %dma_start3A_103 = tpu.memref_slice %arg6[%add3A_95, %dma_start3A_101, %dma_start3A_102] : memref<512x1x64xf32, #tpu.memory_space<vmem>> -> memref<1x1x64xf32, #tpu.memory_space<vmem>>
      %dma_start3A_104 = arith.constant 0 : i32
      %dma_start3A_105 = tpu.memref_slice %arg3[%shift_right_arithmetic3A_89, %and3A_91, %dma_start3A_104] : memref<125000x8x64xf32, #tpu.memory_space<hbm>> -> memref<1x1x64xf32, #tpu.memory_space<hbm>>
      tpu.enqueue_dma source(%dma_start3A_105 : memref<1x1x64xf32, #tpu.memory_space<hbm>>) target(%dma_start3A_103 : memref<1x1x64xf32, #tpu.memory_space<vmem>>) target_semaphore(%arg7 : memref<!tpu.dma_semaphore, #tpu.memory_space<semaphore_mem>>)
      %slice3A_106 = vector.extract_strided_slice %get3A_29 {offsets = [4], sizes = [1], strides = [1]} : vector<16xi32> to vector<1xi32>
      %squeeze3A_107 = vector.extract %slice3A_106[0] : i32 from vector<1xi32>
      %shift_right_arithmetic3A_108 = arith.constant 3 : i32
      %shift_right_arithmetic3A_109 = arith.shrsi %squeeze3A_107, %shift_right_arithmetic3A_108 : i32
      %and3A_110 = arith.constant 7 : i32
      %and3A_111 = arith.andi %squeeze3A_107, %and3A_110 : i32
      %mul3A_112 = arith.constant 16 : i32
      %mul3A_113 = arith.muli %scan3A_25, %mul3A_112 : i32
      %add3A_114 = arith.constant 4 : i32
      %add3A_115 = arith.addi %mul3A_113, %add3A_114 : i32
      %dma_start3A_116 = arith.constant 0 : i32
      %dma_start3A_117 = arith.constant 0 : i32
      %dma_start3A_118 = tpu.memref_slice %arg6[%add3A_115, %dma_start3A_116, %dma_start3A_117] : memref<512x1x64xf32, #tpu.memory_space<vmem>> -> memref<1x1x64xf32, #tpu.memory_space<vmem>>
      %dma_start3A_119 = arith.constant 0 : i32
      %dma_start3A_120 = tpu.memref_slice %arg3[%shift_right_arithmetic3A_109, %and3A_111, %dma_start3A_119] : memref<125000x8x64xf32, #tpu.memory_space<hbm>> -> memref<1x1x64xf32, #tpu.memory_space<hbm>>
      %dma_start3A_121 = arith.constant 0 : i32
      %dma_start3A_122 = arith.constant 0 : i32
      %dma_start3A_123 = tpu.memref_slice %arg6[%add3A_115, %dma_start3A_121, %dma_start3A_122] : memref<512x1x64xf32, #tpu.memory_space<vmem>> -> memref<1x1x64xf32, #tpu.memory_space<vmem>>
      %dma_start3A_124 = arith.constant 0 : i32
      %dma_start3A_125 = tpu.memref_slice %arg3[%shift_right_arithmetic3A_109, %and3A_111, %dma_start3A_124] : memref<125000x8x64xf32, #tpu.memory_space<hbm>> -> memref<1x1x64xf32, #tpu.memory_space<hbm>>
      tpu.enqueue_dma source(%dma_start3A_125 : memref<1x1x64xf32, #tpu.memory_space<hbm>>) target(%dma_start3A_123 : memref<1x1x64xf32, #tpu.memory_space<vmem>>) target_semaphore(%arg7 : memref<!tpu.dma_semaphore, #tpu.memory_space<semaphore_mem>>)
      %slice3A_126 = vector.extract_strided_slice %get3A_29 {offsets = [5], sizes = [1], strides = [1]} : vector<16xi32> to vector<1xi32>
      %squeeze3A_127 = vector.extract %slice3A_126[0] : i32 from vector<1xi32>
      %shift_right_arithmetic3A_128 = arith.constant 3 : i32
      %shift_right_arithmetic3A_129 = arith.shrsi %squeeze3A_127, %shift_right_arithmetic3A_128 : i32
      %and3A_130 = arith.constant 7 : i32
      %and3A_131 = arith.andi %squeeze3A_127, %and3A_130 : i32
      %mul3A_132 = arith.constant 16 : i32
      %mul3A_133 = arith.muli %scan3A_25, %mul3A_132 : i32
      %add3A_134 = arith.constant 5 : i32
      %add3A_135 = arith.addi %mul3A_133, %add3A_134 : i32
      %dma_start3A_136 = arith.constant 0 : i32
      %dma_start3A_137 = arith.constant 0 : i32
      %dma_start3A_138 = tpu.memref_slice %arg6[%add3A_135, %dma_start3A_136, %dma_start3A_137] : memref<512x1x64xf32, #tpu.memory_space<vmem>> -> memref<1x1x64xf32, #tpu.memory_space<vmem>>
      %dma_start3A_139 = arith.constant 0 : i32
      %dma_start3A_140 = tpu.memref_slice %arg3[%shift_right_arithmetic3A_129, %and3A_131, %dma_start3A_139] : memref<125000x8x64xf32, #tpu.memory_space<hbm>> -> memref<1x1x64xf32, #tpu.memory_space<hbm>>
      %dma_start3A_141 = arith.constant 0 : i32
      %dma_start3A_142 = arith.constant 0 : i32
      %dma_start3A_143 = tpu.memref_slice %arg6[%add3A_135, %dma_start3A_141, %dma_start3A_142] : memref<512x1x64xf32, #tpu.memory_space<vmem>> -> memref<1x1x64xf32, #tpu.memory_space<vmem>>
      %dma_start3A_144 = arith.constant 0 : i32
      %dma_start3A_145 = tpu.memref_slice %arg3[%shift_right_arithmetic3A_129, %and3A_131, %dma_start3A_144] : memref<125000x8x64xf32, #tpu.memory_space<hbm>> -> memref<1x1x64xf32, #tpu.memory_space<hbm>>
      tpu.enqueue_dma source(%dma_start3A_145 : memref<1x1x64xf32, #tpu.memory_space<hbm>>) target(%dma_start3A_143 : memref<1x1x64xf32, #tpu.memory_space<vmem>>) target_semaphore(%arg7 : memref<!tpu.dma_semaphore, #tpu.memory_space<semaphore_mem>>)
      %slice3A_146 = vector.extract_strided_slice %get3A_29 {offsets = [6], sizes = [1], strides = [1]} : vector<16xi32> to vector<1xi32>
      %squeeze3A_147 = vector.extract %slice3A_146[0] : i32 from vector<1xi32>
      %shift_right_arithmetic3A_148 = arith.constant 3 : i32
      %shift_right_arithmetic3A_149 = arith.shrsi %squeeze3A_147, %shift_right_arithmetic3A_148 : i32
      %and3A_150 = arith.constant 7 : i32
      %and3A_151 = arith.andi %squeeze3A_147, %and3A_150 : i32
      %mul3A_152 = arith.constant 16 : i32
      %mul3A_153 = arith.muli %scan3A_25, %mul3A_152 : i32
      %add3A_154 = arith.constant 6 : i32
      %add3A_155 = arith.addi %mul3A_153, %add3A_154 : i32
      %dma_start3A_156 = arith.constant 0 : i32
      %dma_start3A_157 = arith.constant 0 : i32
      %dma_start3A_158 = tpu.memref_slice %arg6[%add3A_155, %dma_start3A_156, %dma_start3A_157] : memref<512x1x64xf32, #tpu.memory_space<vmem>> -> memref<1x1x64xf32, #tpu.memory_space<vmem>>
      %dma_start3A_159 = arith.constant 0 : i32
      %dma_start3A_160 = tpu.memref_slice %arg3[%shift_right_arithmetic3A_149, %and3A_151, %dma_start3A_159] : memref<125000x8x64xf32, #tpu.memory_space<hbm>> -> memref<1x1x64xf32, #tpu.memory_space<hbm>>
      %dma_start3A_161 = arith.constant 0 : i32
      %dma_start3A_162 = arith.constant 0 : i32
      %dma_start3A_163 = tpu.memref_slice %arg6[%add3A_155, %dma_start3A_161, %dma_start3A_162] : memref<512x1x64xf32, #tpu.memory_space<vmem>> -> memref<1x1x64xf32, #tpu.memory_space<vmem>>
      %dma_start3A_164 = arith.constant 0 : i32
      %dma_start3A_165 = tpu.memref_slice %arg3[%shift_right_arithmetic3A_149, %and3A_151, %dma_start3A_164] : memref<125000x8x64xf32, #tpu.memory_space<hbm>> -> memref<1x1x64xf32, #tpu.memory_space<hbm>>
      tpu.enqueue_dma source(%dma_start3A_165 : memref<1x1x64xf32, #tpu.memory_space<hbm>>) target(%dma_start3A_163 : memref<1x1x64xf32, #tpu.memory_space<vmem>>) target_semaphore(%arg7 : memref<!tpu.dma_semaphore, #tpu.memory_space<semaphore_mem>>)
      %slice3A_166 = vector.extract_strided_slice %get3A_29 {offsets = [7], sizes = [1], strides = [1]} : vector<16xi32> to vector<1xi32>
      %squeeze3A_167 = vector.extract %slice3A_166[0] : i32 from vector<1xi32>
      %shift_right_arithmetic3A_168 = arith.constant 3 : i32
      %shift_right_arithmetic3A_169 = arith.shrsi %squeeze3A_167, %shift_right_arithmetic3A_168 : i32
      %and3A_170 = arith.constant 7 : i32
      %and3A_171 = arith.andi %squeeze3A_167, %and3A_170 : i32
      %mul3A_172 = arith.constant 16 : i32
      %mul3A_173 = arith.muli %scan3A_25, %mul3A_172 : i32
      %add3A_174 = arith.constant 7 : i32
      %add3A_175 = arith.addi %mul3A_173, %add3A_174 : i32
      %dma_start3A_176 = arith.constant 0 : i32
      %dma_start3A_177 = arith.constant 0 : i32
      %dma_start3A_178 = tpu.memref_slice %arg6[%add3A_175, %dma_start3A_176, %dma_start3A_177] : memref<512x1x64xf32, #tpu.memory_space<vmem>> -> memref<1x1x64xf32, #tpu.memory_space<vmem>>
      %dma_start3A_179 = arith.constant 0 : i32
      %dma_start3A_180 = tpu.memref_slice %arg3[%shift_right_arithmetic3A_169, %and3A_171, %dma_start3A_179] : memref<125000x8x64xf32, #tpu.memory_space<hbm>> -> memref<1x1x64xf32, #tpu.memory_space<hbm>>
      %dma_start3A_181 = arith.constant 0 : i32
      %dma_start3A_182 = arith.constant 0 : i32
      %dma_start3A_183 = tpu.memref_slice %arg6[%add3A_175, %dma_start3A_181, %dma_start3A_182] : memref<512x1x64xf32, #tpu.memory_space<vmem>> -> memref<1x1x64xf32, #tpu.memory_space<vmem>>
      %dma_start3A_184 = arith.constant 0 : i32
      %dma_start3A_185 = tpu.memref_slice %arg3[%shift_right_arithmetic3A_169, %and3A_171, %dma_start3A_184] : memref<125000x8x64xf32, #tpu.memory_space<hbm>> -> memref<1x1x64xf32, #tpu.memory_space<hbm>>
      tpu.enqueue_dma source(%dma_start3A_185 : memref<1x1x64xf32, #tpu.memory_space<hbm>>) target(%dma_start3A_183 : memref<1x1x64xf32, #tpu.memory_space<vmem>>) target_semaphore(%arg7 : memref<!tpu.dma_semaphore, #tpu.memory_space<semaphore_mem>>)
      %slice3A_186 = vector.extract_strided_slice %get3A_29 {offsets = [8], sizes = [1], strides = [1]} : vector<16xi32> to vector<1xi32>
      %squeeze3A_187 = vector.extract %slice3A_186[0] : i32 from vector<1xi32>
      %shift_right_arithmetic3A_188 = arith.constant 3 : i32
      %shift_right_arithmetic3A_189 = arith.shrsi %squeeze3A_187, %shift_right_arithmetic3A_188 : i32
      %and3A_190 = arith.constant 7 : i32
      %and3A_191 = arith.andi %squeeze3A_187, %and3A_190 : i32
      %mul3A_192 = arith.constant 16 : i32
      %mul3A_193 = arith.muli %scan3A_25, %mul3A_192 : i32
      %add3A_194 = arith.constant 8 : i32
      %add3A_195 = arith.addi %mul3A_193, %add3A_194 : i32
      %dma_start3A_196 = arith.constant 0 : i32
      %dma_start3A_197 = arith.constant 0 : i32
      %dma_start3A_198 = tpu.memref_slice %arg6[%add3A_195, %dma_start3A_196, %dma_start3A_197] : memref<512x1x64xf32, #tpu.memory_space<vmem>> -> memref<1x1x64xf32, #tpu.memory_space<vmem>>
      %dma_start3A_199 = arith.constant 0 : i32
      %dma_start3A_200 = tpu.memref_slice %arg3[%shift_right_arithmetic3A_189, %and3A_191, %dma_start3A_199] : memref<125000x8x64xf32, #tpu.memory_space<hbm>> -> memref<1x1x64xf32, #tpu.memory_space<hbm>>
      %dma_start3A_201 = arith.constant 0 : i32
      %dma_start3A_202 = arith.constant 0 : i32
      %dma_start3A_203 = tpu.memref_slice %arg6[%add3A_195, %dma_start3A_201, %dma_start3A_202] : memref<512x1x64xf32, #tpu.memory_space<vmem>> -> memref<1x1x64xf32, #tpu.memory_space<vmem>>
      %dma_start3A_204 = arith.constant 0 : i32
      %dma_start3A_205 = tpu.memref_slice %arg3[%shift_right_arithmetic3A_189, %and3A_191, %dma_start3A_204] : memref<125000x8x64xf32, #tpu.memory_space<hbm>> -> memref<1x1x64xf32, #tpu.memory_space<hbm>>
      tpu.enqueue_dma source(%dma_start3A_205 : memref<1x1x64xf32, #tpu.memory_space<hbm>>) target(%dma_start3A_203 : memref<1x1x64xf32, #tpu.memory_space<vmem>>) target_semaphore(%arg7 : memref<!tpu.dma_semaphore, #tpu.memory_space<semaphore_mem>>)
      %slice3A_206 = vector.extract_strided_slice %get3A_29 {offsets = [9], sizes = [1], strides = [1]} : vector<16xi32> to vector<1xi32>
      %squeeze3A_207 = vector.extract %slice3A_206[0] : i32 from vector<1xi32>
      %shift_right_arithmetic3A_208 = arith.constant 3 : i32
      %shift_right_arithmetic3A_209 = arith.shrsi %squeeze3A_207, %shift_right_arithmetic3A_208 : i32
      %and3A_210 = arith.constant 7 : i32
      %and3A_211 = arith.andi %squeeze3A_207, %and3A_210 : i32
      %mul3A_212 = arith.constant 16 : i32
      %mul3A_213 = arith.muli %scan3A_25, %mul3A_212 : i32
      %add3A_214 = arith.constant 9 : i32
      %add3A_215 = arith.addi %mul3A_213, %add3A_214 : i32
      %dma_start3A_216 = arith.constant 0 : i32
      %dma_start3A_217 = arith.constant 0 : i32
      %dma_start3A_218 = tpu.memref_slice %arg6[%add3A_215, %dma_start3A_216, %dma_start3A_217] : memref<512x1x64xf32, #tpu.memory_space<vmem>> -> memref<1x1x64xf32, #tpu.memory_space<vmem>>
      %dma_start3A_219 = arith.constant 0 : i32
      %dma_start3A_220 = tpu.memref_slice %arg3[%shift_right_arithmetic3A_209, %and3A_211, %dma_start3A_219] : memref<125000x8x64xf32, #tpu.memory_space<hbm>> -> memref<1x1x64xf32, #tpu.memory_space<hbm>>
      %dma_start3A_221 = arith.constant 0 : i32
      %dma_start3A_222 = arith.constant 0 : i32
      %dma_start3A_223 = tpu.memref_slice %arg6[%add3A_215, %dma_start3A_221, %dma_start3A_222] : memref<512x1x64xf32, #tpu.memory_space<vmem>> -> memref<1x1x64xf32, #tpu.memory_space<vmem>>
      %dma_start3A_224 = arith.constant 0 : i32
      %dma_start3A_225 = tpu.memref_slice %arg3[%shift_right_arithmetic3A_209, %and3A_211, %dma_start3A_224] : memref<125000x8x64xf32, #tpu.memory_space<hbm>> -> memref<1x1x64xf32, #tpu.memory_space<hbm>>
      tpu.enqueue_dma source(%dma_start3A_225 : memref<1x1x64xf32, #tpu.memory_space<hbm>>) target(%dma_start3A_223 : memref<1x1x64xf32, #tpu.memory_space<vmem>>) target_semaphore(%arg7 : memref<!tpu.dma_semaphore, #tpu.memory_space<semaphore_mem>>)
      %slice3A_226 = vector.extract_strided_slice %get3A_29 {offsets = [10], sizes = [1], strides = [1]} : vector<16xi32> to vector<1xi32>
      %squeeze3A_227 = vector.extract %slice3A_226[0] : i32 from vector<1xi32>
      %shift_right_arithmetic3A_228 = arith.constant 3 : i32
      %shift_right_arithmetic3A_229 = arith.shrsi %squeeze3A_227, %shift_right_arithmetic3A_228 : i32
      %and3A_230 = arith.constant 7 : i32
      %and3A_231 = arith.andi %squeeze3A_227, %and3A_230 : i32
      %mul3A_232 = arith.constant 16 : i32
      %mul3A_233 = arith.muli %scan3A_25, %mul3A_232 : i32
      %add3A_234 = arith.constant 10 : i32
      %add3A_235 = arith.addi %mul3A_233, %add3A_234 : i32
      %dma_start3A_236 = arith.constant 0 : i32
      %dma_start3A_237 = arith.constant 0 : i32
      %dma_start3A_238 = tpu.memref_slice %arg6[%add3A_235, %dma_start3A_236, %dma_start3A_237] : memref<512x1x64xf32, #tpu.memory_space<vmem>> -> memref<1x1x64xf32, #tpu.memory_space<vmem>>
      %dma_start3A_239 = arith.constant 0 : i32
      %dma_start3A_240 = tpu.memref_slice %arg3[%shift_right_arithmetic3A_229, %and3A_231, %dma_start3A_239] : memref<125000x8x64xf32, #tpu.memory_space<hbm>> -> memref<1x1x64xf32, #tpu.memory_space<hbm>>
      %dma_start3A_241 = arith.constant 0 : i32
      %dma_start3A_242 = arith.constant 0 : i32
      %dma_start3A_243 = tpu.memref_slice %arg6[%add3A_235, %dma_start3A_241, %dma_start3A_242] : memref<512x1x64xf32, #tpu.memory_space<vmem>> -> memref<1x1x64xf32, #tpu.memory_space<vmem>>
      %dma_start3A_244 = arith.constant 0 : i32
      %dma_start3A_245 = tpu.memref_slice %arg3[%shift_right_arithmetic3A_229, %and3A_231, %dma_start3A_244] : memref<125000x8x64xf32, #tpu.memory_space<hbm>> -> memref<1x1x64xf32, #tpu.memory_space<hbm>>
      tpu.enqueue_dma source(%dma_start3A_245 : memref<1x1x64xf32, #tpu.memory_space<hbm>>) target(%dma_start3A_243 : memref<1x1x64xf32, #tpu.memory_space<vmem>>) target_semaphore(%arg7 : memref<!tpu.dma_semaphore, #tpu.memory_space<semaphore_mem>>)
      %slice3A_246 = vector.extract_strided_slice %get3A_29 {offsets = [11], sizes = [1], strides = [1]} : vector<16xi32> to vector<1xi32>
      %squeeze3A_247 = vector.extract %slice3A_246[0] : i32 from vector<1xi32>
      %shift_right_arithmetic3A_248 = arith.constant 3 : i32
      %shift_right_arithmetic3A_249 = arith.shrsi %squeeze3A_247, %shift_right_arithmetic3A_248 : i32
      %and3A_250 = arith.constant 7 : i32
      %and3A_251 = arith.andi %squeeze3A_247, %and3A_250 : i32
      %mul3A_252 = arith.constant 16 : i32
      %mul3A_253 = arith.muli %scan3A_25, %mul3A_252 : i32
      %add3A_254 = arith.constant 11 : i32
      %add3A_255 = arith.addi %mul3A_253, %add3A_254 : i32
      %dma_start3A_256 = arith.constant 0 : i32
      %dma_start3A_257 = arith.constant 0 : i32
      %dma_start3A_258 = tpu.memref_slice %arg6[%add3A_255, %dma_start3A_256, %dma_start3A_257] : memref<512x1x64xf32, #tpu.memory_space<vmem>> -> memref<1x1x64xf32, #tpu.memory_space<vmem>>
      %dma_start3A_259 = arith.constant 0 : i32
      %dma_start3A_260 = tpu.memref_slice %arg3[%shift_right_arithmetic3A_249, %and3A_251, %dma_start3A_259] : memref<125000x8x64xf32, #tpu.memory_space<hbm>> -> memref<1x1x64xf32, #tpu.memory_space<hbm>>
      %dma_start3A_261 = arith.constant 0 : i32
      %dma_start3A_262 = arith.constant 0 : i32
      %dma_start3A_263 = tpu.memref_slice %arg6[%add3A_255, %dma_start3A_261, %dma_start3A_262] : memref<512x1x64xf32, #tpu.memory_space<vmem>> -> memref<1x1x64xf32, #tpu.memory_space<vmem>>
      %dma_start3A_264 = arith.constant 0 : i32
      %dma_start3A_265 = tpu.memref_slice %arg3[%shift_right_arithmetic3A_249, %and3A_251, %dma_start3A_264] : memref<125000x8x64xf32, #tpu.memory_space<hbm>> -> memref<1x1x64xf32, #tpu.memory_space<hbm>>
      tpu.enqueue_dma source(%dma_start3A_265 : memref<1x1x64xf32, #tpu.memory_space<hbm>>) target(%dma_start3A_263 : memref<1x1x64xf32, #tpu.memory_space<vmem>>) target_semaphore(%arg7 : memref<!tpu.dma_semaphore, #tpu.memory_space<semaphore_mem>>)
      %slice3A_266 = vector.extract_strided_slice %get3A_29 {offsets = [12], sizes = [1], strides = [1]} : vector<16xi32> to vector<1xi32>
      %squeeze3A_267 = vector.extract %slice3A_266[0] : i32 from vector<1xi32>
      %shift_right_arithmetic3A_268 = arith.constant 3 : i32
      %shift_right_arithmetic3A_269 = arith.shrsi %squeeze3A_267, %shift_right_arithmetic3A_268 : i32
      %and3A_270 = arith.constant 7 : i32
      %and3A_271 = arith.andi %squeeze3A_267, %and3A_270 : i32
      %mul3A_272 = arith.constant 16 : i32
      %mul3A_273 = arith.muli %scan3A_25, %mul3A_272 : i32
      %add3A_274 = arith.constant 12 : i32
      %add3A_275 = arith.addi %mul3A_273, %add3A_274 : i32
      %dma_start3A_276 = arith.constant 0 : i32
      %dma_start3A_277 = arith.constant 0 : i32
      %dma_start3A_278 = tpu.memref_slice %arg6[%add3A_275, %dma_start3A_276, %dma_start3A_277] : memref<512x1x64xf32, #tpu.memory_space<vmem>> -> memref<1x1x64xf32, #tpu.memory_space<vmem>>
      %dma_start3A_279 = arith.constant 0 : i32
      %dma_start3A_280 = tpu.memref_slice %arg3[%shift_right_arithmetic3A_269, %and3A_271, %dma_start3A_279] : memref<125000x8x64xf32, #tpu.memory_space<hbm>> -> memref<1x1x64xf32, #tpu.memory_space<hbm>>
      %dma_start3A_281 = arith.constant 0 : i32
      %dma_start3A_282 = arith.constant 0 : i32
      %dma_start3A_283 = tpu.memref_slice %arg6[%add3A_275, %dma_start3A_281, %dma_start3A_282] : memref<512x1x64xf32, #tpu.memory_space<vmem>> -> memref<1x1x64xf32, #tpu.memory_space<vmem>>
      %dma_start3A_284 = arith.constant 0 : i32
      %dma_start3A_285 = tpu.memref_slice %arg3[%shift_right_arithmetic3A_269, %and3A_271, %dma_start3A_284] : memref<125000x8x64xf32, #tpu.memory_space<hbm>> -> memref<1x1x64xf32, #tpu.memory_space<hbm>>
      tpu.enqueue_dma source(%dma_start3A_285 : memref<1x1x64xf32, #tpu.memory_space<hbm>>) target(%dma_start3A_283 : memref<1x1x64xf32, #tpu.memory_space<vmem>>) target_semaphore(%arg7 : memref<!tpu.dma_semaphore, #tpu.memory_space<semaphore_mem>>)
      %slice3A_286 = vector.extract_strided_slice %get3A_29 {offsets = [13], sizes = [1], strides = [1]} : vector<16xi32> to vector<1xi32>
      %squeeze3A_287 = vector.extract %slice3A_286[0] : i32 from vector<1xi32>
      %shift_right_arithmetic3A_288 = arith.constant 3 : i32
      %shift_right_arithmetic3A_289 = arith.shrsi %squeeze3A_287, %shift_right_arithmetic3A_288 : i32
      %and3A_290 = arith.constant 7 : i32
      %and3A_291 = arith.andi %squeeze3A_287, %and3A_290 : i32
      %mul3A_292 = arith.constant 16 : i32
      %mul3A_293 = arith.muli %scan3A_25, %mul3A_292 : i32
      %add3A_294 = arith.constant 13 : i32
      %add3A_295 = arith.addi %mul3A_293, %add3A_294 : i32
      %dma_start3A_296 = arith.constant 0 : i32
      %dma_start3A_297 = arith.constant 0 : i32
      %dma_start3A_298 = tpu.memref_slice %arg6[%add3A_295, %dma_start3A_296, %dma_start3A_297] : memref<512x1x64xf32, #tpu.memory_space<vmem>> -> memref<1x1x64xf32, #tpu.memory_space<vmem>>
      %dma_start3A_299 = arith.constant 0 : i32
      %dma_start3A_300 = tpu.memref_slice %arg3[%shift_right_arithmetic3A_289, %and3A_291, %dma_start3A_299] : memref<125000x8x64xf32, #tpu.memory_space<hbm>> -> memref<1x1x64xf32, #tpu.memory_space<hbm>>
      %dma_start3A_301 = arith.constant 0 : i32
      %dma_start3A_302 = arith.constant 0 : i32
      %dma_start3A_303 = tpu.memref_slice %arg6[%add3A_295, %dma_start3A_301, %dma_start3A_302] : memref<512x1x64xf32, #tpu.memory_space<vmem>> -> memref<1x1x64xf32, #tpu.memory_space<vmem>>
      %dma_start3A_304 = arith.constant 0 : i32
      %dma_start3A_305 = tpu.memref_slice %arg3[%shift_right_arithmetic3A_289, %and3A_291, %dma_start3A_304] : memref<125000x8x64xf32, #tpu.memory_space<hbm>> -> memref<1x1x64xf32, #tpu.memory_space<hbm>>
      tpu.enqueue_dma source(%dma_start3A_305 : memref<1x1x64xf32, #tpu.memory_space<hbm>>) target(%dma_start3A_303 : memref<1x1x64xf32, #tpu.memory_space<vmem>>) target_semaphore(%arg7 : memref<!tpu.dma_semaphore, #tpu.memory_space<semaphore_mem>>)
      %slice3A_306 = vector.extract_strided_slice %get3A_29 {offsets = [14], sizes = [1], strides = [1]} : vector<16xi32> to vector<1xi32>
      %squeeze3A_307 = vector.extract %slice3A_306[0] : i32 from vector<1xi32>
      %shift_right_arithmetic3A_308 = arith.constant 3 : i32
      %shift_right_arithmetic3A_309 = arith.shrsi %squeeze3A_307, %shift_right_arithmetic3A_308 : i32
      %and3A_310 = arith.constant 7 : i32
      %and3A_311 = arith.andi %squeeze3A_307, %and3A_310 : i32
      %mul3A_312 = arith.constant 16 : i32
      %mul3A_313 = arith.muli %scan3A_25, %mul3A_312 : i32
      %add3A_314 = arith.constant 14 : i32
      %add3A_315 = arith.addi %mul3A_313, %add3A_314 : i32
      %dma_start3A_316 = arith.constant 0 : i32
      %dma_start3A_317 = arith.constant 0 : i32
      %dma_start3A_318 = tpu.memref_slice %arg6[%add3A_315, %dma_start3A_316, %dma_start3A_317] : memref<512x1x64xf32, #tpu.memory_space<vmem>> -> memref<1x1x64xf32, #tpu.memory_space<vmem>>
      %dma_start3A_319 = arith.constant 0 : i32
      %dma_start3A_320 = tpu.memref_slice %arg3[%shift_right_arithmetic3A_309, %and3A_311, %dma_start3A_319] : memref<125000x8x64xf32, #tpu.memory_space<hbm>> -> memref<1x1x64xf32, #tpu.memory_space<hbm>>
      %dma_start3A_321 = arith.constant 0 : i32
      %dma_start3A_322 = arith.constant 0 : i32
      %dma_start3A_323 = tpu.memref_slice %arg6[%add3A_315, %dma_start3A_321, %dma_start3A_322] : memref<512x1x64xf32, #tpu.memory_space<vmem>> -> memref<1x1x64xf32, #tpu.memory_space<vmem>>
      %dma_start3A_324 = arith.constant 0 : i32
      %dma_start3A_325 = tpu.memref_slice %arg3[%shift_right_arithmetic3A_309, %and3A_311, %dma_start3A_324] : memref<125000x8x64xf32, #tpu.memory_space<hbm>> -> memref<1x1x64xf32, #tpu.memory_space<hbm>>
      tpu.enqueue_dma source(%dma_start3A_325 : memref<1x1x64xf32, #tpu.memory_space<hbm>>) target(%dma_start3A_323 : memref<1x1x64xf32, #tpu.memory_space<vmem>>) target_semaphore(%arg7 : memref<!tpu.dma_semaphore, #tpu.memory_space<semaphore_mem>>)
      %slice3A_326 = vector.extract_strided_slice %get3A_29 {offsets = [15], sizes = [1], strides = [1]} : vector<16xi32> to vector<1xi32>
      %squeeze3A_327 = vector.extract %slice3A_326[0] : i32 from vector<1xi32>
      %shift_right_arithmetic3A_328 = arith.constant 3 : i32
      %shift_right_arithmetic3A_329 = arith.shrsi %squeeze3A_327, %shift_right_arithmetic3A_328 : i32
      %and3A_330 = arith.constant 7 : i32
      %and3A_331 = arith.andi %squeeze3A_327, %and3A_330 : i32
      %mul3A_332 = arith.constant 16 : i32
      %mul3A_333 = arith.muli %scan3A_25, %mul3A_332 : i32
      %add3A_334 = arith.constant 15 : i32
      %add3A_335 = arith.addi %mul3A_333, %add3A_334 : i32
      %dma_start3A_336 = arith.constant 0 : i32
      %dma_start3A_337 = arith.constant 0 : i32
      %dma_start3A_338 = tpu.memref_slice %arg6[%add3A_335, %dma_start3A_336, %dma_start3A_337] : memref<512x1x64xf32, #tpu.memory_space<vmem>> -> memref<1x1x64xf32, #tpu.memory_space<vmem>>
      %dma_start3A_339 = arith.constant 0 : i32
      %dma_start3A_340 = tpu.memref_slice %arg3[%shift_right_arithmetic3A_329, %and3A_331, %dma_start3A_339] : memref<125000x8x64xf32, #tpu.memory_space<hbm>> -> memref<1x1x64xf32, #tpu.memory_space<hbm>>
      %dma_start3A_341 = arith.constant 0 : i32
      %dma_start3A_342 = arith.constant 0 : i32
      %dma_start3A_343 = tpu.memref_slice %arg6[%add3A_335, %dma_start3A_341, %dma_start3A_342] : memref<512x1x64xf32, #tpu.memory_space<vmem>> -> memref<1x1x64xf32, #tpu.memory_space<vmem>>
      %dma_start3A_344 = arith.constant 0 : i32
      %dma_start3A_345 = tpu.memref_slice %arg3[%shift_right_arithmetic3A_329, %and3A_331, %dma_start3A_344] : memref<125000x8x64xf32, #tpu.memory_space<hbm>> -> memref<1x1x64xf32, #tpu.memory_space<hbm>>
      tpu.enqueue_dma source(%dma_start3A_345 : memref<1x1x64xf32, #tpu.memory_space<hbm>>) target(%dma_start3A_343 : memref<1x1x64xf32, #tpu.memory_space<vmem>>) target_semaphore(%arg7 : memref<!tpu.dma_semaphore, #tpu.memory_space<semaphore_mem>>)
    }
    %scan3A_6 = arith.constant 32 : i32
    %dma_wait3A = arith.constant 0 : i32
    %dma_wait3A_7 = arith.constant 0 : i32
    %dma_wait3A_8 = arith.constant 0 : i32
    %dma_wait3A_9 = tpu.memref_slice %arg3[%dma_wait3A, %dma_wait3A_7, %dma_wait3A_8] : memref<125000x8x64xf32, #tpu.memory_space<hbm>> -> memref<512x1x64xf32, #tpu.memory_space<hbm>>
    %dma_wait3A_10 = arith.constant 0 : i32
    %dma_wait3A_11 = arith.constant 0 : i32
    %dma_wait3A_12 = arith.constant 0 : i32
    %dma_wait3A_13 = tpu.memref_slice %arg3[%dma_wait3A_10, %dma_wait3A_11, %dma_wait3A_12] : memref<125000x8x64xf32, #tpu.memory_space<hbm>> -> memref<512x1x64xf32, #tpu.memory_space<hbm>>
    tpu.wait_dma2 semaphore(%arg7 : memref<!tpu.dma_semaphore, #tpu.memory_space<semaphore_mem>>) src(%dma_wait3A_13 : memref<512x1x64xf32, #tpu.memory_space<hbm>>) dst(%arg6 : memref<512x1x64xf32, #tpu.memory_space<vmem>>)
    %dma_start3A = arith.constant 0 : i32
    %dma_start3A_14 = arith.constant 0 : i32
    %dma_start3A_15 = tpu.memref_slice %arg4[%mul3A_2, %dma_start3A, %dma_start3A_14] : memref<16384x1x64xf32, #tpu.memory_space<hbm>> -> memref<512x1x64xf32, #tpu.memory_space<hbm>>
    %dma_start3A_16 = arith.constant 0 : i32
    %dma_start3A_17 = arith.constant 0 : i32
    %dma_start3A_18 = tpu.memref_slice %arg4[%mul3A_2, %dma_start3A_16, %dma_start3A_17] : memref<16384x1x64xf32, #tpu.memory_space<hbm>> -> memref<512x1x64xf32, #tpu.memory_space<hbm>>
    tpu.enqueue_dma source(%arg6 : memref<512x1x64xf32, #tpu.memory_space<vmem>>) target(%dma_start3A_18 : memref<512x1x64xf32, #tpu.memory_space<hbm>>) target_semaphore(%arg8 : memref<!tpu.dma_semaphore, #tpu.memory_space<semaphore_mem>>)
    %dma_wait3A_19 = arith.constant 0 : i32
    %dma_wait3A_20 = arith.constant 0 : i32
    %dma_wait3A_21 = tpu.memref_slice %arg4[%mul3A_2, %dma_wait3A_19, %dma_wait3A_20] : memref<16384x1x64xf32, #tpu.memory_space<hbm>> -> memref<512x1x64xf32, #tpu.memory_space<hbm>>
    %dma_wait3A_22 = arith.constant 0 : i32
    %dma_wait3A_23 = arith.constant 0 : i32
    %dma_wait3A_24 = tpu.memref_slice %arg4[%mul3A_2, %dma_wait3A_22, %dma_wait3A_23] : memref<16384x1x64xf32, #tpu.memory_space<hbm>> -> memref<512x1x64xf32, #tpu.memory_space<hbm>>
    tpu.wait_dma2 semaphore(%arg8 : memref<!tpu.dma_semaphore, #tpu.memory_space<semaphore_mem>>) src(%arg6 : memref<512x1x64xf32, #tpu.memory_space<vmem>>) dst(%dma_wait3A_24 : memref<512x1x64xf32, #tpu.memory_space<hbm>>)
    return
  }
}

</mosaic_0001>

<sc_bundles>
// kernel: kernel.3.cloned.1.call-start
scs
__scs_entry_jumppad:
0x0: {  	(pc) =	sbr.rel $0x88, $3  }
0x1: {  	(tag) =	ssettag $0x0;
	lr =	simm.s32 $0x1  }
0x2: {  	[smem:$0x3F9F] =	sst lr;
	_ =	strace $0xD0000000  }
0x3: {  	_ = 	snop  }
0x4: {  	_ = 	snop  }
0x5: {  	_ = 	snop  }
0x6: {  	_ = 	snop  }
0x7: {  	_ = 	snop  }
__scs_overlays_trampoline_lowered:
0x8: {  	[smem:$0x3FAE] =	sst s0  }
0x9: {  	[smem:$0x3FAF] =	sst s1  }
0xa: {  	[smem:$0x3FB0] =	sst s2  }
0xb: {  	[smem:$0x3FB1] =	sst s3  }
0xc: {  	[smem:$0x3FB2] =	sst s4  }
0xd: {  	[smem:$0x3FB3] =	sst s5  }
0xe: {  	[smem:$0x3FB4] =	sst s6  }
0xf: {  	[smem:$0x3FB5] =	sst s7  }
0x10: {  	[smem:$0x3FB6] =	sst s8  }
0x11: {  	[smem:$0x3FB7] =	sst s9;
	s0 =	simm.s32 @!p0 $0x0  }
0x12: {  	s1 =	sld [smem:$0x3F9D];
	s0 =	simm.s32 @p0 $0x1  }
0x13: {  	[smem:$0x3FB8] =	sst s0;
	s0 =	simm.s32 @!p1 $0x0  }
0x14: {  	s2 =	sld [smem:$0x3F9C];
	s0 =	simm.s32 @p1 $0x1  }
0x15: {  	[smem:$0x3FB9] =	sst s0;
	s0 =	simm.s32 @!p2 $0x0  }
0x16: {  	s3 =	sld [smem:$0x3FDB];
	s0 =	simm.s32 @p2 $0x1  }
0x17: {  	s4 =	simm.s32 $0x1BF5;
	[smem:$0x3FBB] =	sst s0  }
0x18: {  	s0 =	sld [smem:$0x3F9E];
	_ =	swait.ge [sflag:s4], $0x0  }
0x19: {  	s7 =	sld [smem:$0x3F9F]  }
0x1a: {  	s8 =	sadd.s32 $0xFFFFE003, lr  }
0x1b: {  	s9 =	sadd.s32 $0xFFFFFEF7, lr;
	s5 =	simm.s32 $0xFFFFFFFF;
	p2 =	slt.u32 s8, $0xFFFFF086  }
0x1c: {  	p1 =	slt.u32 s9, $0xF7A;
	s5 =	simm.s32 @!p2 $0x0  }
0x1d: {  	s5 =	simm.s32 @p1 $0x1;
	p0 =	seq.s32 s7, s2  }
0x1e: {  	s7 =	smul.u32 @!p0 $0xF7A, s2;
	p2 =	seq.s32 @!p0 s5, $0x0  }
0x1f: {  	s9 =	smul.u32 $0xF7A, s1;
	s8 =	simm.s32 @!p0 $0x1BF5;
	p2 =	por !p2, p0  }
0x20: {  	[sflag:s8] =	ssyncset.s32 @!p0 $0xFFFFF086;
	s6 =	sadd.s32 @!p0 s3, s7;
	s7 =	simm.s32 @!p0 $0x108  }
0x21: {  	s3 =	sadd.s32 s3, s9;
	s6 =	sadd.s32 @!p0 $0x88, s6;
	s7 =	simm.s32 @p2 $0x1082  }
0x22: {  	[simem:s7], [sflag:s8] =	dma.local @!p0 [hbm:s6], $0xF7A  }
0x23: {  	s9 =	sor.u32 $0xD0000000, s2;
	s6 =	simm.s32 $0x108;
	_ =	swait.ge @!p0 [sflag:s8], $0x0  }
0x24: {  	s3 =	sadd.s32 $0x88, s3;
	s6 =	simm.s32 @!p1 $0x1082;
	[sflag:s4] =	ssyncset.s32 $0xFFFFF086  }
0x25: {  	[simem:s6], [sflag:s4] =	dma.local [hbm:s3], $0xF7A  }
0x26: {  	[smem:$0x3F9F] =	sst s1;
	(tag) =	ssettag s2;
	_ =	strace s9  }
0x27: {  	s1 =	sld [smem:$0x3FAF]  }
0x28: {  	s2 =	sld [smem:$0x3FB0]  }
0x29: {  	s4 =	sld [smem:$0x3FB2]  }
0x2a: {  	p0 =	seq.s32 s5, $0x0;
	s5 =	sld [smem:$0x3FB3]  }
0x2b: {  	s6 =	sld [smem:$0x3FB4]  }
0x2c: {  	s7 =	sld [smem:$0x3FB5]  }
0x2d: {  	s3 =	simm.s32 $0x108;
	s8 =	sld [smem:$0x3FB6]  }
0x2e: {  	s3 =	simm.s32 @!p0 $0x1082;
	s9 =	sld [smem:$0x3FB7]  }
0x2f: {  	lr =	sadd.s32 s0, s3;
	s0 =	sld [smem:$0x3FAE]  }
0x30: {  	s3 =	sld [smem:$0x3FB1]  }
0x31: {  	[smem:$0x3FBA] =	sst s10  }
0x32: {  	s10 =	sld [smem:$0x3FB8];
	_ =	sdelay $0x3  }
0x33: {  	p0 =	seq.s32 s10, $0x1;
	s10 =	sld [smem:$0x3FBA];
	_ =	sdelay $0x3  }
0x34: {  	[smem:$0x3FBA] =	sst s10  }
0x35: {  	s10 =	sld [smem:$0x3FB9];
	_ =	sdelay $0x3  }
0x36: {  	p1 =	seq.s32 s10, $0x1;
	s10 =	sld [smem:$0x3FBA];
	_ =	sdelay $0x3  }
0x37: {  	[smem:$0x3FBA] =	sst s10  }
0x38: {  	s10 =	sld [smem:$0x3FBB]  }
0x39: {  	_ = 	snop;
	(pc) =	sbr.ind lr, $3  }
0x3a: {  	_ = 	snop  }
0x3b: {  	_ = 	snop  }
0x3c: {  	p2 =	seq.s32 s10, $0x1;
	s10 =	sld [smem:$0x3FBA]  }
0x3d: {  	_ =	shalt  }
0x3e: {  	_ =	shalt  }
0x3f: {  	_ =	shalt  }
0x40: {  	_ =	shalt  }
0x41: {  	_ =	shalt  }
0x42: {  	_ =	shalt  }
0x43: {  	_ =	shalt  }
0x44: {  	_ =	shalt  }
0x45: {  	_ =	shalt  }
0x46: {  	_ =	shalt  }
0x47: {  	_ =	shalt  }
0x48: {  	_ =	shalt  }
0x49: {  	_ =	shalt  }
0x4a: {  	_ =	shalt  }
0x4b: {  	_ =	shalt  }
0x4c: {  	_ =	shalt  }
0x4d: {  	_ =	shalt  }
0x4e: {  	_ =	shalt  }
0x4f: {  	_ =	shalt  }
0x50: {  	_ =	shalt  }
0x51: {  	_ =	shalt  }
0x52: {  	_ =	shalt  }
0x53: {  	_ =	shalt  }
0x54: {  	_ =	shalt  }
0x55: {  	_ =	shalt  }
0x56: {  	_ =	shalt  }
0x57: {  	_ =	shalt  }
0x58: {  	_ =	shalt  }
0x59: {  	_ =	shalt  }
0x5a: {  	_ =	shalt  }
0x5b: {  	_ =	shalt  }
0x5c: {  	_ =	shalt  }
0x5d: {  	_ =	shalt  }
0x5e: {  	_ =	shalt  }
0x5f: {  	_ =	shalt  }
0x60: {  	_ =	shalt  }
0x61: {  	_ =	shalt  }
0x62: {  	_ =	shalt  }
0x63: {  	_ =	shalt  }
0x64: {  	_ =	shalt  }
0x65: {  	_ =	shalt  }
0x66: {  	_ =	shalt  }
0x67: {  	_ =	shalt  }
0x68: {  	_ =	shalt  }
0x69: {  	_ =	shalt  }
0x6a: {  	_ =	shalt  }
0x6b: {  	_ =	shalt  }
0x6c: {  	_ =	shalt  }
0x6d: {  	_ =	shalt  }
0x6e: {  	_ =	shalt  }
0x6f: {  	_ =	shalt  }
0x70: {  	_ =	shalt  }
0x71: {  	_ =	shalt  }
0x72: {  	_ =	shalt  }
0x73: {  	_ =	shalt  }
0x74: {  	_ =	shalt  }
0x75: {  	_ =	shalt  }
0x76: {  	_ =	shalt  }
0x77: {  	_ =	shalt  }
0x78: {  	_ =	shalt  }
0x79: {  	_ =	shalt  }
0x7a: {  	_ =	shalt  }
0x7b: {  	_ =	shalt  }
0x7c: {  	_ =	shalt  }
0x7d: {  	_ =	shalt  }
0x7e: {  	_ =	shalt  }
0x7f: {  	_ =	shalt  }
0x80: {  	_ =	shalt  }
0x81: {  	_ =	shalt  }
0x82: {  	_ =	shalt  }
0x83: {  	_ =	shalt  }
0x84: {  	_ =	shalt  }
0x85: {  	_ =	shalt  }
0x86: {  	_ =	shalt  }
0x87: {  	_ =	shalt  }
.Lfunc_end0:
.L_simem_size_0:
called_computation_lowered:
.L_overlay_start_0:
0x88: {  	s2 =	sld [smem:$0x3FD9]  }
0x89: {  	s3 =	sld [smem:$0x3FFE];
	_ =	sdelay $0x1  }
0x8a: {  	s1 =	srdreg.scid  }
0x8b: {  	s0 =	sand.u32 $0x1, s1  }
0x8c: {  	s17 =	sshll.u32 s0, $0xA;
	s2 =	sadd.s32 s3, s2  }
0x8d: {  	s2 =	sadd.s32 s2, s17  }
0x8e: {  	[smem:$0x3FC6] =	sst s2  }
0x8f: {  	_ = 	snop  }
0x90: {  	s2 =	sld [smem:$0x3FD0];
	(tm) =	ssettm $0x1  }
0x91: {  	s18 =	sld [smem:$0x3FFB];
	_ =	sdelay $0x3  }
0x92: {  	_ =	strace s18  }
0x93: {  	s3 =	sld [smem:$0x3FFC];
	_ =	sdelay $0x3  }
0x94: {  	_ =	strace s3  }
0x95: {  	s3 =	sld [smem:$0x3FFD];
	_ =	sdelay $0x3  }
0x96: {  	_ =	strace s3  }
0x97: {  	_ =	strace $0x8FFFFFFF  }
0x98: {  	s19 =	sld [smem:$0x3FDB];
	_ =	sdelay $0x1  }
0x99: {  	s4 =	simm.s32 $_scs_section_size  }
0x9a: {  	s5 =	simm.s32 $_size__tile_overlayer_lowered;
	s6 =	simm.s32 $_tile_overlayer_lowered  }
0x9b: {  	s22 =	simm.s32 $0x1BFF;
	s21 =	sshll.u32 s6, $0x1;
	s3 =	sadd.s32 s4, s19  }
0x9c: {  	s7 =	simm.s32 $0x0;
	s20 =	sshll.u32 s5, $0x1;
	s5 =	sadd.s32 s21, s3  }
0x9d: {  	[timem:s7], [sflag:s22] =	dma.local [hbm:s5], s20  }
0x9e: {  	_ =	swait.ge [sflag:s22], s20  }
0x9f: {  	s4 =	ssub.s32 $0x0, s20;
	[sflag:s22] =	ssyncset.done $0x0  }
0xa0: {  	[sflag:s22] =	ssyncadd.s32 s4;
	_ =	sdelay $0x1  }
0xa1: {  	s23 =	simm.s32 $0x1B8B  }
0xa2: {  	_ =	swait.ge [sflag:s23], $0x1  }
0xa3: {  	[sflag:s23] =	ssyncset.done $0x0  }
0xa4: {  	s25 =	simm.s32 $0x1B8E;
	s24 =	sld [smem:$0x3FFE];
	[sflag:s23] =	ssyncadd.s32 $0xFFFFFFFF  }
0xa5: {  	s26 =	simm.s32 $execute0_lowered;
	[smem:$0x3FD2] =	sst s25  }
0xa6: {  	s5 =	sshll.u32 s26, $0x1;
	_ =	strace $0x80000046;
	[dreg:$0x1] =	wrdreg $0xFFFFFFFF  }
0xa7: {  	s28 =	simm.s32 $_size_execute0_lowered;
	s3 =	sadd.s32 s3, s5;
	[dreg:$0x0] =	wrdreg $0x0  }
0xa8: {  	s5 =	sshll.u32 s28, $0x1;
	[dreg:$0x2] =	wrdreg s3  }
0xa9: {  	[dreg:$0x3] =	wrdreg s5  }
0xaa: {  	[dreg:$0x4] =	wrdreg $0xC0  }
0xab: {  	_ =	task [dreg:s7], $0x5FFFF  }
0xac: {  	[dreg:$0x1] =	wrdreg $0xFFFFFFFF  }
0xad: {  	[dreg:$0x0] =	wrdreg $0x60  }
0xae: {  	[dreg:$0x2] =	wrdreg s2  }
0xaf: {  	[dreg:$0x3] =	wrdreg s24  }
0xb0: {  	[dreg:$0x4] =	wrdreg $0x9  }
0xb1: {  	_ =	task.clear_ibuf [dreg:s7], $0x5FFFF;
	_ =	strace $0x90000046  }
0xb2: {  	s29 =	simm.s32 $0x9;
	_ =	strace $0x80000048  }
0xb3: {  	_ =	swait.ge [sflag:s29], $0x1  }
0xb4: {  	[sflag:s29] =	ssyncadd.s32 $0xFFFFFFFF  }
0xb5: {  	_ =	strace $0x90000048  }
0xb6: {  	_ =	sfence  }
0xb7: {  	s30 =	sld [smem:$0x0];
	_ =	sdelay $0x2  }
0xb8: {  	s31 =	sshll.u32 s1, $0xD;
	s1 =	sshrl.u32 s1, $0x2  }
0xb9: {  	s3 =	sand.u32 $0x4000, s31;
	s1 =	sadd.s32 s1, s30  }
0xba: {  	s0 =	sor.u32 s3, s0;
	s1 =	sshll.u32 s1, $0x11  }
0xbb: {  	s0 =	sor.u32 s1, s0  }
0xbc: {  	s0 =	sadd.s32 $0x8F2B, s0  }
0xbd: {  	[sflag:s0] =	ssyncadd.remote.s32 $0x1  }
0xbe: {  	_ =	sfence.sel $0xFFFF  }
0xbf: {  	[dreg:$0x0] =	wrdreg $0xFFFFFFFF;
	(pc) =	sbr.abs _section_cstart, $3  }
0xc0: {  	[dreg:$0x1] =	wrdreg $0xFFFFFFFF  }
0xc1: {  	_ =	task.clear_ibuf [dreg:s7], $0x2FFFF;
	_ =	strace $0x9FFFFFFF  }
0xc2: {  	(tm) =	ssettm $0x7FFFFFFF  }
0xc3: {  	_ =	shalt  }
tec
execute0_lowered:
.L_overlay_start_1:
0x0: {  	(tag) =	ssettag $0x1  }
0x1: {  	s4 =	rddreg [dreg:$0x0]  }
0x2: {  	s5 =	rddreg [dreg:$0x1];
	s2 =	simm.s32 $0x0  }
0x3: {  	s3 =	srdreg.scid;
	s0 =	stileid.u32;
	s11 =	simm.s32 $0x200  }
0x4: {  	s12 =	simm.s32 $0x2;
	s13 =	simm.s32 $0x0;
	[smem:$0x7FF] =	sst s2  }
0x5: {  	s6 =	sand.u32 $0x1, s3;
	s31 =	sshll.u32 s0, $0x1;
	s3 =	sadd.s32 $0x400, s5  }
0x6: {  	s9 =	sshll.u32 s0, $0x7;
	_ =	strace $0x80000047;
	s7 =	sor.u32 s6, s31  }
0x7: {  	s6 =	ssub.s32 $0x2, s6;
	s9 =	sand.u32 $0x600, s9;
	s8 =	sshll.u32 s7, $0xD  }
0x8: {  	s7 =	sshll.u32 s7, $0x4;
	s10 =	sshrl.u32 s6, $0x1;
	s4 =	sadd.s32 s4, s9  }
0x9: {  	s9 =	simm.s32 $0x3;
	s7 =	sand.u32 $0x70, s7;
	s5 =	sadd.s32 s8, s5  }
0xa: {  	s6 =	ssub.s32 s6, s10;
	s8 =	simm.s32 $0x400;
	s10 =	simm.s32 $0x1  }
0xb: {  	s4 =	sadd.s32 s7, s4;
	s5 =	sadd.s32 $0xF42800, s5;
	s6 =	smax.u32 s6, $0x1  }
.LBB2_1:
0xc: {  	s0 =	simm.s32 $0x80  }
0xd: {  	[tilespmem:s2], [sflag:$0x3] =	stream.strided.gather [hbm4b:s4+s0], $0x200, s8, s0, $0x38;
	[tilespmem:$0x10200] =	vst v63  }
0xe: {  	_ =	swait.ge [sflag:s9], $0x200  }
0xf: {  	[sflag:s9] =	ssyncset.done $0x0  }
0x10: {  	[sflag:s9] =	ssyncadd.s32 $0xFFFFFE00  }
0x11: {  	v0 =	vld [tilespmem:s2+$0x0];
	_ =	sdelay $0x4  }
0x12: {  	v0 =	vshll.u32 v0, $0x4  }
0x13: {  	(v2sf) =	vpush v0, $0x0  }
0x14: {  	(v2sf) =	vpush v0, $0x1  }
0x15: {  	(v2sf) =	vpush v0, $0x2;
	_ =	sdelay $0x1  }
0x16: {  	(v2sf) =	vpush v0, $0x4;
	_ =	sdelay $0x1  }
0x17: {  	(v2sf) =	vpush v0, $0x3  }
0x18: {  	(v2sf) =	vpush v0, $0x5  }
0x19: {  	s15 =	simm.s32 $0x2000;
	s14 =	simm.s32 $0x0;
	s16 =	simm.s32 $0x0;
	(v2sf) =	vpush v0, $0x6  }
.LBB2_2:
0x1a: {  	p0 =	sne.s32 s15, $0x3E000  }
0x1b: {  	s26 =	sadd.s32 $0x280, s14;
	s20 =	sadd.s32 $0x780, s14;
	s17 =	smov.u32 s15  }
0x1c: {  	s15 =	sadd.s32 $0x2000, s15;
	s23 =	sadd.s32 $0x580, s14;
	s18 =	sadd.s32 $0x800, s14;
	(v2sf) =	vpush v0, $0x7  }
0x1d: {  	s25 =	sadd.s32 $0x480, s14;
	s22 =	sadd.s32 $0x600, s14;
	s19 =	sadd.s32 $0x880, s14  }
0x1e: {  	s28 =	sadd.s32 $0x200, s14;
	s29 =	sadd.s32 $0x400, s14;
	(v2sf) =	vpush v0, $0x8  }
0x1f: {  	s30 =	sadd.s32 $0x500, s14;
	s16 =	sadd.s32 $0x10, s16  }
0x20: {  	s31 =	sadd.s32 $0x300, s14;
	s21 =	sadd.s32 $0x700, s14;
	s24 =	spop (v2sf);
	(v2sf) =	vpush v0, $0x9  }
0x21: {  	s0 =	sand.u32 $0x1FFFFFF0, s24;
	s24 =	sadd.s32 $0x680, s14;
	s1 =	spop (v2sf)  }
0x22: {  	s0 =	sadd.s32 s3, s0;
	s1 =	sand.u32 $0x1FFFFFF0, s1;
	s7 =	spop (v2sf);
	(v2sf) =	vpush v0, $0xA  }
0x23: {  	[tilespmem:s28], [sflag:$0x1] =	stream.linear.gather [hbm4b:s0+s2], $0x80, $0x38;
	[tilespmem:$0x10200] =	vst v63  }
0x24: {  	s0 =	sadd.s32 s3, s1;
	s1 =	sadd.s32 $0x380, s14;
	s28 =	spop (v2sf);
	(v2sf) =	vpush v0, $0xB  }
0x25: {  	[tilespmem:s26], [sflag:$0x1] =	stream.linear.gather [hbm4b:s0+s2], $0x80, $0x38;
	[tilespmem:$0x10200] =	vst v63  }
0x26: {  	s0 =	sand.u32 $0x1FFFFFF0, s7;
	s7 =	sand.u32 $0x1FFFFFF0, s28;
	s26 =	spop (v2sf);
	(v2sf) =	vpush v0, $0xC  }
0x27: {  	s0 =	sadd.s32 s3, s0;
	s26 =	sand.u32 $0x1FFFFFF0, s26;
	s28 =	spop (v2sf)  }
0x28: {  	[tilespmem:s31], [sflag:$0x1] =	stream.linear.gather [hbm4b:s0+s2], $0x80, $0x38;
	(v2sf) =	vpush v0, $0xD;
	[tilespmem:$0x10200] =	vst v63  }
0x29: {  	s0 =	sadd.s32 s3, s26;
	s26 =	sand.u32 $0x1FFFFFF0, s28;
	s28 =	spop (v2sf)  }
0x2a: {  	[tilespmem:s1], [sflag:$0x1] =	stream.linear.gather [hbm4b:s0+s2], $0x80, $0x38;
	(v2sf) =	vpush v0, $0xE;
	[tilespmem:$0x10200] =	vst v63  }
0x2b: {  	s0 =	sadd.s32 s3, s7;
	s1 =	sand.u32 $0x1FFFFFF0, s28;
	s7 =	spop (v2sf)  }
0x2c: {  	[tilespmem:s29], [sflag:$0x1] =	stream.linear.gather [hbm4b:s0+s2], $0x80, $0x38;
	(v2sf) =	vpush v0, $0xF;
	[tilespmem:$0x10200] =	vst v63  }
0x2d: {  	s0 =	sadd.s32 s3, s26;
	s7 =	sand.u32 $0x1FFFFFF0, s7;
	s26 =	spop (v2sf)  }
0x2e: {  	[tilespmem:s25], [sflag:$0x1] =	stream.linear.gather [hbm4b:s0+s2], $0x80, $0x38;
	[tilespmem:$0x10200] =	vst v63  }
0x2f: {  	s0 =	sadd.s32 s3, s1;
	s1 =	sand.u32 $0x1FFFFFF0, s26;
	s25 =	spop (v2sf)  }
0x30: {  	[tilespmem:s30], [sflag:$0x1] =	stream.linear.gather [hbm4b:s0+s2], $0x80, $0x38;
	[tilespmem:$0x10200] =	vst v63  }
0x31: {  	s0 =	sadd.s32 s3, s7;
	s7 =	sand.u32 $0x1FFFFFF0, s25;
	s25 =	spop (v2sf)  }
0x32: {  	[tilespmem:s23], [sflag:$0x1] =	stream.linear.gather [hbm4b:s0+s2], $0x80, $0x38;
	[tilespmem:$0x10200] =	vst v63  }
0x33: {  	s0 =	sadd.s32 s3, s1;
	s1 =	sand.u32 $0x1FFFFFF0, s25;
	s23 =	spop (v2sf)  }
0x34: {  	[tilespmem:s22], [sflag:$0x1] =	stream.linear.gather [hbm4b:s0+s2], $0x80, $0x38;
	[tilespmem:$0x10200] =	vst v63  }
0x35: {  	s0 =	sadd.s32 s3, s7;
	s7 =	sand.u32 $0x1FFFFFF0, s23;
	s22 =	spop (v2sf)  }
0x36: {  	[tilespmem:s24], [sflag:$0x1] =	stream.linear.gather [hbm4b:s0+s2], $0x80, $0x38;
	[tilespmem:$0x10200] =	vst v63  }
0x37: {  	s0 =	sadd.s32 s3, s1;
	s1 =	sand.u32 $0x1FFFFFF0, s22;
	s22 =	spop (v2sf)  }
0x38: {  	[tilespmem:s21], [sflag:$0x1] =	stream.linear.gather [hbm4b:s0+s2], $0x80, $0x38;
	[tilespmem:$0x10200] =	vst v63  }
0x39: {  	s0 =	sadd.s32 s3, s7;
	s7 =	sand.u32 $0x1FFFFFF0, s22;
	s21 =	spop (v2sf)  }
0x3a: {  	[tilespmem:s20], [sflag:$0x1] =	stream.linear.gather [hbm4b:s0+s2], $0x80, $0x38;
	[tilespmem:$0x10200] =	vst v63  }
0x3b: {  	s0 =	sadd.s32 s3, s1;
	s1 =	sand.u32 $0x1FFFFFF0, s21;
	s20 =	spop (v2sf)  }
0x3c: {  	[tilespmem:s18], [sflag:$0x1] =	stream.linear.gather [hbm4b:s0+s2], $0x80, $0x38;
	[tilespmem:$0x10200] =	vst v63  }
0x3d: {  	s0 =	sadd.s32 s3, s7;
	s7 =	sand.u32 $0x1FFFFFF0, s20  }
0x3e: {  	[tilespmem:s19], [sflag:$0x1] =	stream.linear.gather [hbm4b:s0+s2], $0x80, $0x38;
	[tilespmem:$0x10200] =	vst v63  }
0x3f: {  	s1 =	sadd.s32 s3, s1;
	s0 =	sadd.s32 $0x900, s14  }
0x40: {  	[tilespmem:s0], [sflag:$0x1] =	stream.linear.gather [hbm4b:s1+s2], $0x80, $0x38;
	[tilespmem:$0x10200] =	vst v63  }
0x41: {  	s0 =	sadd.s32 $0x980, s14;
	s1 =	sadd.s32 s3, s7  }
0x42: {  	[tilespmem:s0], [sflag:$0x1] =	stream.linear.gather [hbm4b:s1+s2], $0x80, $0x38;
	[tilespmem:$0x10200] =	vst v63  }
0x43: {  	v0 =	vld [tilespmem:s16+$0x0];
	_ =	sdelay $0x4  }
0x44: {  	v0 =	vshll.u32 v0, $0x4  }
0x45: {  	(v2sf) =	vpush v0, $0x0  }
0x46: {  	(v2sf) =	vpush v0, $0x1  }
0x47: {  	(v2sf) =	vpush v0, $0x2;
	_ =	sdelay $0x1  }
0x48: {  	(v2sf) =	vpush v0, $0x4  }
.Ltmp0:
0x49: {  	(pc) =	sbr.rel @p0 .LBB2_2-.Ltmp0, $3  }
0x4a: {  	(v2sf) =	vpush v0, $0x3  }
0x4b: {  	(v2sf) =	vpush v0, $0x5;
	_ =	sdelay $0x1  }
0x4c: {  	s14 =	sshra.s32 s17, $0x2;
	(v2sf) =	vpush v0, $0x6  }
0x4d: {  	_ =	sdelay $0x1  }
0x4e: {  	s0 =	sadd.s32 $0x280, s14;
	s17 =	sadd.s32 $0x780, s14  }
0x4f: {  	s1 =	sadd.s32 $0x580, s14;
	s15 =	sadd.s32 $0x800, s14;
	(v2sf) =	vpush v0, $0x7;
	s7 =	sadd.s32 $0x480, s14  }
0x50: {  	s18 =	sadd.s32 $0x600, s14;
	s16 =	sadd.s32 $0x880, s14;
	s19 =	sadd.s32 $0x200, s14  }
0x51: {  	s20 =	sadd.s32 $0x400, s14;
	s21 =	sadd.s32 $0x500, s14;
	(v2sf) =	vpush v0, $0x8;
	s22 =	spop (v2sf)  }
0x52: {  	s23 =	sadd.s32 $0x300, s14;
	s22 =	sand.u32 $0x1FFFFFF0, s22;
	s24 =	spop (v2sf)  }
0x53: {  	(v2sf) =	vpush v0, $0x9;
	s22 =	sadd.s32 s3, s22;
	s24 =	sand.u32 $0x1FFFFFF0, s24;
	s25 =	spop (v2sf)  }
0x54: {  	[tilespmem:s19], [sflag:$0x1] =	stream.linear.gather [hbm4b:s22+s2], $0x80, $0x38;
	[tilespmem:$0x10200] =	vst v63  }
0x55: {  	(v2sf) =	vpush v0, $0xA;
	s26 =	sadd.s32 s3, s24;
	s29 =	sand.u32 $0x1FFFFFF0, s25;
	s28 =	spop (v2sf)  }
0x56: {  	[tilespmem:s0], [sflag:$0x1] =	stream.linear.gather [hbm4b:s26+s2], $0x80, $0x38;
	[tilespmem:$0x10200] =	vst v63  }
0x57: {  	s19 =	sadd.s32 $0x700, s14;
	(v2sf) =	vpush v0, $0xB;
	s22 =	sadd.s32 s3, s29;
	s30 =	spop (v2sf)  }
0x58: {  	s0 =	sadd.s32 $0x680, s14;
	s26 =	sadd.s32 $0x380, s14;
	s25 =	sand.u32 $0x1FFFFFF0, s30  }
0x59: {  	(v2sf) =	vpush v0, $0xC;
	[tilespmem:s23], [sflag:$0x1] =	stream.linear.gather [hbm4b:s22+s2], $0x80, $0x38;
	[tilespmem:$0x10200] =	vst v63  }
0x5a: {  	s31 =	sand.u32 $0x1FFFFFF0, s28;
	s28 =	spop (v2sf);
	s29 =	sadd.s32 s3, s25  }
0x5b: {  	(v2sf) =	vpush v0, $0xD;
	[tilespmem:s26], [sflag:$0x1] =	stream.linear.gather [hbm4b:s29+s2], $0x80, $0x38;
	[tilespmem:$0x10200] =	vst v63  }
0x5c: {  	s22 =	sadd.s32 s3, s31;
	s23 =	sand.u32 $0x1FFFFFF0, s28;
	s30 =	spop (v2sf)  }
0x5d: {  	(v2sf) =	vpush v0, $0xE;
	[tilespmem:s20], [sflag:$0x1] =	stream.linear.gather [hbm4b:s22+s2], $0x80, $0x38;
	[tilespmem:$0x10200] =	vst v63  }
0x5e: {  	s23 =	sadd.s32 s3, s23;
	s31 =	sand.u32 $0x1FFFFFF0, s30;
	s24 =	spop (v2sf)  }
0x5f: {  	(v2sf) =	vpush v0, $0xF;
	[tilespmem:s7], [sflag:$0x1] =	stream.linear.gather [hbm4b:s23+s2], $0x80, $0x38;
	[tilespmem:$0x10200] =	vst v63  }
0x60: {  	s25 =	sand.u32 $0x1FFFFFF0, s24;
	s26 =	spop (v2sf);
	s20 =	sadd.s32 s3, s31  }
0x61: {  	[tilespmem:s21], [sflag:$0x1] =	stream.linear.gather [hbm4b:s20+s2], $0x80, $0x38;
	[tilespmem:$0x10200] =	vst v63  }
0x62: {  	s28 =	sand.u32 $0x1FFFFFF0, s26;
	s7 =	sadd.s32 s3, s25;
	s29 =	spop (v2sf)  }
0x63: {  	[tilespmem:s1], [sflag:$0x1] =	stream.linear.gather [hbm4b:s7+s2], $0x80, $0x38;
	[tilespmem:$0x10200] =	vst v63  }
0x64: {  	s20 =	sadd.s32 s3, s28;
	s30 =	sand.u32 $0x1FFFFFF0, s29;
	s31 =	spop (v2sf)  }
0x65: {  	[tilespmem:s18], [sflag:$0x1] =	stream.linear.gather [hbm4b:s20+s2], $0x80, $0x38;
	[tilespmem:$0x10200] =	vst v63  }
0x66: {  	s7 =	sand.u32 $0x1FFFFFF0, s31;
	s1 =	sadd.s32 s3, s30;
	s20 =	spop (v2sf)  }
0x67: {  	[tilespmem:s0], [sflag:$0x1] =	stream.linear.gather [hbm4b:s1+s2], $0x80, $0x38;
	[tilespmem:$0x10200] =	vst v63  }
0x68: {  	s7 =	sadd.s32 s3, s7;
	s21 =	sand.u32 $0x1FFFFFF0, s20;
	s22 =	spop (v2sf)  }
0x69: {  	[tilespmem:s19], [sflag:$0x1] =	stream.linear.gather [hbm4b:s7+s2], $0x80, $0x38;
	[tilespmem:$0x10200] =	vst v63  }
0x6a: {  	s0 =	sadd.s32 s3, s21;
	s1 =	sand.u32 $0x1FFFFFF0, s22;
	s23 =	spop (v2sf)  }
0x6b: {  	[tilespmem:s17], [sflag:$0x1] =	stream.linear.gather [hbm4b:s0+s2], $0x80, $0x38;
	[tilespmem:$0x10200] =	vst v63  }
0x6c: {  	s24 =	sand.u32 $0x1FFFFFF0, s23;
	s1 =	sadd.s32 s3, s1;
	s25 =	spop (v2sf)  }
0x6d: {  	[tilespmem:s15], [sflag:$0x1] =	stream.linear.gather [hbm4b:s1+s2], $0x80, $0x38;
	[tilespmem:$0x10200] =	vst v63  }
0x6e: {  	s26 =	sand.u32 $0x1FFFFFF0, s25;
	s28 =	spop (v2sf);
	s0 =	sadd.s32 s3, s24  }
0x6f: {  	[tilespmem:s16], [sflag:$0x1] =	stream.linear.gather [hbm4b:s0+s2], $0x80, $0x38;
	[tilespmem:$0x10200] =	vst v63  }
0x70: {  	s30 =	sadd.s32 $0x900, s14;
	s29 =	sand.u32 $0x1FFFFFF0, s28;
	s1 =	sadd.s32 s3, s26  }
0x71: {  	[tilespmem:s30], [sflag:$0x1] =	stream.linear.gather [hbm4b:s1+s2], $0x80, $0x38;
	[tilespmem:$0x10200] =	vst v63  }
0x72: {  	s31 =	sadd.s32 $0x980, s14;
	s0 =	sadd.s32 s3, s29  }
0x73: {  	[tilespmem:s31], [sflag:$0x1] =	stream.linear.gather [hbm4b:s0+s2], $0x80, $0x38;
	[tilespmem:$0x10200] =	vst v63  }
0x74: {  	s13 =	sadd.s32 $0x1, s13;
	_ =	swait.ge [sflag:s10], $0x10000  }
0x75: {  	p0 =	sne.s32 s13, s6;
	[sflag:s10] =	ssyncset.done $0x0  }
.Ltmp1:
0x76: {  	[sflag:s10] =	ssyncadd.s32 $0xFFFF0000;
	(pc) =	sbr.rel @p0 .LBB2_1-.Ltmp1, $4  }
0x77: {  	[hbm4b:s5+s2] =	stream.linear.scatter [tilespmem:s11], [sflag:$0x2], $0x10000, $0x38;
	[tilespmem:$0x10200] =	vst v63  }
0x78: {  	_ =	swait.ge [sflag:s12], $0x10000  }
0x79: {  	[sflag:s12] =	ssyncset.done $0x0  }
0x7a: {  	[sflag:s12] =	ssyncadd.s32 $0xFFFF0000  }
0x7b: {  	_ =	sfence.sel $0x180000  }
0x7c: {  	[bflag:$0x0] =	sbarrier.arrive $0xFFFF  }
0x7d: {  	_ =	strace $0x90000047  }
0x7e: {  	s0 =	stileid.u32;
	[bflag:$0x2] =	sbarrier.arrive $0xFFFF  }
0x7f: {  	p0 =	sne.s32 s0, $0x0;
	s0 =	rddreg [dreg:$0x2]  }
0x80: {  	s0 =	sadd.s32 @!p0 $0x100000, s0  }
0x81: {  	[sflag:s0] =	ssyncadd.tile.s32 @!p0 $0x1;
	_ =	shalt  }
.Lfunc_end2:
_tile_overlayer_lowered:
.L_overlay_start_2:
0x82: {  	(tag) =	ssettag $0x2  }
0x83: {  	s0 =	rddreg [dreg:$0x0];
	s2 =	stileid.u32  }
0x84: {  	s1 =	rddreg [dreg:$0x1];
	p0 =	sne.s32 s2, $0x0  }
0x85: {  	s3 =	rddreg [dreg:$0x2];
	[bflag:$0x3] =	sbarrier.arrive $0xFFFF;
	s2 =	simm.s32 @!p0 $0x1C03  }
0x86: {  	[timem:s3], [sflag:s2] =	dma.local @!p0 [hbm:s0], s1  }
0x87: {  	s0 =	simm.s32 @!p0 $0x3  }
0x88: {  	_ =	swait.ge @!p0 [sflag:s0], s1  }
0x89: {  	s1 =	ssub.s32 @!p0 $0x0, s1;
	[sflag:s0] =	ssyncset.done @!p0 $0x0  }
0x8a: {  	[sflag:s0] =	ssyncadd.s32 @!p0 s1  }
0x8b: {  	[bflag:$0x3] =	sbarrier.arrive $0xFFFF  }
0x8c: {  	_ =	shalt  }

</sc_bundles>
